<compile_context>
chip_gen: v7x
topology: tpu7x:2x2x1
jax: 0.10.2.dev20260603
libtpu: 0.0.44.dev20260713+nightly
codegen_flags: <defaults>
</compile_context>

<pallas_src>
import functools

import jax
import jax.numpy as jnp
from jax import lax
from jax.experimental import pallas as pl
from jax.experimental.pallas import tpu as pltpu
from jax.experimental.pallas import tpu_sc as plsc

_SC_CORES = 2
_SC_SUBCORES = 16
_NW = _SC_CORES * _SC_SUBCORES

_GATHER_CHUNK = 128


def _pack_kernel(x_ref, out_ref):
    x = x_ref[...]
    half = x.shape[1] // 2
    ul = lax.bitcast_convert_type(x[:, :half], jnp.uint32)
    uh = lax.bitcast_convert_type(x[:, half:], jnp.uint32)
    rl = lax.shift_right_logical(ul + jnp.uint32(0x8000), jnp.uint32(16))
    rh = (uh + jnp.uint32(0x8000)) & jnp.uint32(0xFFFF0000)
    out_ref[...] = lax.bitcast_convert_type(rl | rh, jnp.float32)


def _pack_rows(x):
    R, D = x.shape
    blk = 2048
    return pl.pallas_call(
        _pack_kernel,
        grid=(R // blk,),
        in_specs=[pl.BlockSpec((blk, D), lambda i: (i, 0))],
        out_specs=pl.BlockSpec((blk, D // 2), lambda i: (i, 0)),
        out_shape=jax.ShapeDtypeStruct((R, D // 2), jnp.float32),
    )(x)


def _sc_gather_rows(table, idx):
    R, D = table.shape
    N = idx.shape[0]
    per_w = N // _NW
    n_chunks = per_w // _GATHER_CHUNK
    assert per_w % _GATHER_CHUNK == 0 and N % (8 * _NW) == 0

    mesh = plsc.VectorSubcoreMesh(core_axis_name="c", subcore_axis_name="s")

    @functools.partial(
        pl.kernel,
        mesh=mesh,
        out_type=jax.ShapeDtypeStruct((N, D), jnp.float32),
        scratch_types=[
            pltpu.VMEM((_GATHER_CHUNK,), jnp.int32),
            pltpu.VMEM((_GATHER_CHUNK, D), jnp.float32),
            pltpu.SemaphoreType.DMA,
        ],
    )
    def gather_kernel(table_hbm, idx_hbm, out_hbm, idx_v, rows_v, sem):
        wid = lax.axis_index("s") * _SC_CORES + lax.axis_index("c")
        base = wid * per_w
        for j in range(n_chunks):
            off = base + j * _GATHER_CHUNK
            pltpu.sync_copy(idx_hbm.at[pl.ds(off, _GATHER_CHUNK)], idx_v)
            pltpu.async_copy(table_hbm.at[idx_v], rows_v, sem).wait()
            pltpu.sync_copy(rows_v, out_hbm.at[pl.ds(off, _GATHER_CHUNK)])

    return gather_kernel(table, idx)


_BT = 1024


def _mlp_kernel(h_ref, colf_ref, motif_ref, ct_ref, w1h_ref, w1clo_ref,
                w1chi_ref, wm_ref, b1_ref, w2_ref, b2_ref, out_ref):
    z = lax.dot_general(h_ref[...].astype(jnp.bfloat16), w1h_ref[...],
                        (((1,), (1,)), ((), ())),
                        preferred_element_type=jnp.float32)
    u = lax.bitcast_convert_type(colf_ref[...], jnp.uint32)
    lo = lax.bitcast_convert_type(u << 16, jnp.float32).astype(jnp.bfloat16)
    hi = lax.bitcast_convert_type(u & jnp.uint32(0xFFFF0000),
                                  jnp.float32).astype(jnp.bfloat16)
    z += lax.dot_general(lo, w1clo_ref[...], (((1,), (1,)), ((), ())),
                         preferred_element_type=jnp.float32)
    z += lax.dot_general(hi, w1chi_ref[...], (((1,), (1,)), ((), ())),
                         preferred_element_type=jnp.float32)
    z += lax.dot_general(motif_ref[...], wm_ref[:, 0:1],
                         (((1,), (1,)), ((), ())),
                         preferred_element_type=jnp.float32)
    z += b1_ref[...]
    hm = jnp.maximum(z, 0.0)
    logit = jnp.sum(hm * w2_ref[...], axis=1, keepdims=True)
    logit = logit + b2_ref[0, 0]
    valid = ct_ref[...] >= 0
    out_ref[...] = jnp.where(valid, logit, 0.0)


def kernel(hidden_states, column_features, W1, b1, W2, b2, c_t, motif_indicators):
    B, T, H = hidden_states.shape
    _, NC, FD = column_features.shape
    N = B * T

    c_safe = jnp.where(c_t >= 0, c_t, 0)
    flat_idx = (jnp.arange(B, dtype=jnp.int32)[:, None] * NC + c_safe).reshape(N)

    table_pk = _pack_rows(column_features.reshape(B * NC, FD))

    h2 = hidden_states.reshape(N, H)
    motif = motif_indicators.reshape(N, 1).astype(jnp.bfloat16)
    ct2 = c_t.reshape(N, 1)

    W1bf = W1.astype(jnp.bfloat16)
    b1r = b1.reshape(1, H)
    b2r = b2.reshape(1, 1)

    hf = FD // 2
    colf_pk = _sc_gather_rows(table_pk, flat_idx)
    out = pl.pallas_call(
        _mlp_kernel,
        grid=(N // _BT,),
        in_specs=[
            pl.BlockSpec((_BT, H), lambda i: (i, 0)),
            pl.BlockSpec((_BT, hf), lambda i: (i, 0)),
            pl.BlockSpec((_BT, 1), lambda i: (i, 0)),
            pl.BlockSpec((_BT, 1), lambda i: (i, 0)),
            pl.BlockSpec((H, H), lambda i: (0, 0)),
            pl.BlockSpec((H, hf), lambda i: (0, H // hf)),
            pl.BlockSpec((H, hf), lambda i: (0, H // hf + 1)),
            pl.BlockSpec((H, 128), lambda i: (0, (H + FD) // 128)),
            pl.BlockSpec((1, H), lambda i: (0, 0)),
            pl.BlockSpec((1, H), lambda i: (0, 0)),
            pl.BlockSpec((1, 1), lambda i: (0, 0)),
        ],
        out_specs=pl.BlockSpec((_BT, 1), lambda i: (i, 0)),
        out_shape=jax.ShapeDtypeStruct((N, 1), jnp.float32),
    )(h2, colf_pk, motif, ct2, W1bf, W1bf, W1bf, W1bf, b1r, W2, b2r)

    return out.reshape(B, T)

# --- scband reference (transcript-rebuilt; emitter-appended) ---
"""Pipeline reference for scband-gate-head-90245852824124 (READ-ONLY COPY).

The authoritative reference and input builder live on the scoring server;
editing this copy changes nothing except your own understanding.
"""

import jax, jax.numpy as jnp
import numpy as np

B, T, H, FD, NC = 4, 2048, 1024, 512, 512


def setup_inputs(seed: int = 0) -> dict:
    key = jax.random.key(seed)
    ks = jax.random.split(key, 8)
    hidden_states = jax.random.normal(ks[0], (B, T, H), dtype=jnp.float32)
    column_features = jax.random.normal(ks[1], (B, NC, FD), dtype=jnp.float32)
    c_t = jax.random.randint(ks[2], (B, T), 0, NC, dtype=jnp.int32)
    motif_indicators = jax.random.randint(ks[3], (B, T), 0, 2, dtype=jnp.int32) > 0
    in_dim = H + FD + 1
    W1 = jax.random.normal(ks[4], (H, in_dim), dtype=jnp.float32) * 0.02
    b1 = jnp.zeros((H,), dtype=jnp.float32)
    W2 = jax.random.normal(ks[5], (1, H), dtype=jnp.float32) * 0.02
    b2 = jnp.zeros((1,), dtype=jnp.float32)
    return {
        "hidden_states": hidden_states,
        "column_features": column_features,
        "W1": W1,
        "b1": b1,
        "W2": W2,
        "b2": b2,
        "c_t": c_t,
        "motif_indicators": motif_indicators,
    }


def reference(hidden_states, column_features, W1, b1, W2, b2, c_t, motif_indicators):
    # Vectorized, math-faithful version of the per-timestep torch loop.
    # Dropout is identity (eval mode / deterministic reference).
    Bv, Tv, Hv = hidden_states.shape
    valid = c_t >= 0
    c_safe = jnp.where(valid, c_t, 0)
    batch_idx = jnp.arange(Bv)[:, None]
    # gather per-position column features: column_features[b, c_t[b, t]] -> [B, T, FD]
    col_feats = column_features[batch_idx, c_safe]
    motif = motif_indicators.astype(jnp.float32)[..., None]
    feats = jnp.concatenate([hidden_states, col_feats, motif], axis=-1)  # [B, T, H+FD+1]
    hmid = jnp.maximum(jnp.einsum('btd,hd->bth', feats, W1) + b1, 0.0)
    logits = (jnp.einsum('bth,oh->bto', hmid, W2) + b2)[..., 0]  # [B, T]
    gate_logits = jnp.where(valid, logits, 0.0)
    return gate_logits

if __name__ == "__main__":
    import jax
    _d = setup_inputs()
    print(jax.jit(kernel)(*tuple(_d.values())))

</pallas_src>

<mosaic_0001>
#map = affine_map<(d0, d1) -> (0, 0)>
#map1 = affine_map<(d0, d1) -> (0)>
module attributes {stable_mosaic.version = 14 : i64} {
  func.func @gather_kernel(%arg0: i32, %arg1: i32, %arg2: memref<2048x256xf32, #tpu.memory_space<hbm>>, %arg3: memref<8192xi32, #tpu.memory_space<hbm>>, %arg4: memref<8192x256xf32, #tpu.memory_space<hbm>>, %arg5: memref<128xi32, #tpu.memory_space<vmem>>, %arg6: memref<128x256xf32, #tpu.memory_space<vmem>>, %arg7: memref<!tpu.dma_semaphore, #tpu.memory_space<semaphore_mem>>) attributes {dimension_semantics = [#tpu.dimension_semantics<core_parallel>, #tpu.dimension_semantics<subcore_parallel>], iteration_bounds = array<i64: 2, 16>, scalar_prefetch = 0 : i64, scratch_operands = 3 : i64, tpu.core_type = #tpu.core_type<sc_vector_subcore>, window_params = [{transform_indices = #map}, {transform_indices = #map1}, {transform_indices = #map}]} {
    %mul3A = arith.constant 2 : i32
    %mul3A_0 = arith.muli %arg1, %mul3A : i32
    %add3A = arith.addi %mul3A_0, %arg0 : i32
    %mul3A_1 = arith.constant 256 : i32
    %mul3A_2 = arith.muli %add3A, %mul3A_1 : i32
    %add3A_3 = arith.constant 0 : i32
    %add3A_4 = arith.addi %mul3A_2, %add3A_3 : i32
    "tpu.region"() ({
      %run_scoped3A = tpu.sem_alloc : memref<!tpu.dma_semaphore, #tpu.memory_space<semaphore_mem>>
      %dma_start3A_17 = tpu.memref_slice %arg3[%add3A_4] : memref<8192xi32, #tpu.memory_space<hbm>> -> memref<128xi32, #tpu.memory_space<hbm>>
      %dma_start3A_18 = tpu.memref_slice %arg3[%add3A_4] : memref<8192xi32, #tpu.memory_space<hbm>> -> memref<128xi32, #tpu.memory_space<hbm>>
      tpu.enqueue_dma source(%dma_start3A_18 : memref<128xi32, #tpu.memory_space<hbm>>) target(%arg5 : memref<128xi32, #tpu.memory_space<vmem>>) target_semaphore(%run_scoped3A : memref<!tpu.dma_semaphore, #tpu.memory_space<semaphore_mem>>)
      %dma_wait3A_19 = tpu.memref_slice %arg3[%add3A_4] : memref<8192xi32, #tpu.memory_space<hbm>> -> memref<128xi32, #tpu.memory_space<hbm>>
      %dma_wait3A_20 = tpu.memref_slice %arg3[%add3A_4] : memref<8192xi32, #tpu.memory_space<hbm>> -> memref<128xi32, #tpu.memory_space<hbm>>
      tpu.wait_dma2 semaphore(%run_scoped3A : memref<!tpu.dma_semaphore, #tpu.memory_space<semaphore_mem>>) src(%dma_wait3A_20 : memref<128xi32, #tpu.memory_space<hbm>>) dst(%arg5 : memref<128xi32, #tpu.memory_space<vmem>>)
      tpu.yield
    }) : () -> ()
    %dma_start3A = arith.constant 0 : i32
    %dma_start3A_5 = arith.constant 0 : i32
    %dma_start3A_6 = tpu.memref_slice %arg2[%dma_start3A, %dma_start3A_5] : memref<2048x256xf32, #tpu.memory_space<hbm>> -> memref<2048x256xf32, #tpu.memory_space<hbm>>
    tpu.enqueue_indirect_dma source(%dma_start3A_6 : memref<2048x256xf32, #tpu.memory_space<hbm>>) target(%arg6 : memref<128x256xf32, #tpu.memory_space<vmem>>) offsets(%arg5 : memref<128xi32, #tpu.memory_space<vmem>>) semaphore(%arg7 : memref<!tpu.dma_semaphore, #tpu.memory_space<semaphore_mem>>)
    %dma_wait3A = arith.constant 0 : i32
    %dma_wait3A_7 = arith.constant 0 : i32
    %dma_wait3A_8 = tpu.memref_slice %arg2[%dma_wait3A, %dma_wait3A_7] : memref<2048x256xf32, #tpu.memory_space<hbm>> -> memref<2048x256xf32, #tpu.memory_space<hbm>>
    tpu.wait_indirect_dma semaphore(%arg7 : memref<!tpu.dma_semaphore, #tpu.memory_space<semaphore_mem>>) src(%dma_wait3A_8 : memref<2048x256xf32, #tpu.memory_space<hbm>>) dst(%arg6 : memref<128x256xf32, #tpu.memory_space<vmem>>)
    "tpu.region"() ({
      %run_scoped3A = tpu.sem_alloc : memref<!tpu.dma_semaphore, #tpu.memory_space<semaphore_mem>>
      %dma_start3A_17 = arith.constant 0 : i32
      %dma_start3A_18 = tpu.memref_slice %arg4[%add3A_4, %dma_start3A_17] : memref<8192x256xf32, #tpu.memory_space<hbm>> -> memref<128x256xf32, #tpu.memory_space<hbm>>
      %dma_start3A_19 = arith.constant 0 : i32
      %dma_start3A_20 = tpu.memref_slice %arg4[%add3A_4, %dma_start3A_19] : memref<8192x256xf32, #tpu.memory_space<hbm>> -> memref<128x256xf32, #tpu.memory_space<hbm>>
      tpu.enqueue_dma source(%arg6 : memref<128x256xf32, #tpu.memory_space<vmem>>) target(%dma_start3A_20 : memref<128x256xf32, #tpu.memory_space<hbm>>) target_semaphore(%run_scoped3A : memref<!tpu.dma_semaphore, #tpu.memory_space<semaphore_mem>>)
      %dma_wait3A_21 = arith.constant 0 : i32
      %dma_wait3A_22 = tpu.memref_slice %arg4[%add3A_4, %dma_wait3A_21] : memref<8192x256xf32, #tpu.memory_space<hbm>> -> memref<128x256xf32, #tpu.memory_space<hbm>>
      %dma_wait3A_23 = arith.constant 0 : i32
      %dma_wait3A_24 = tpu.memref_slice %arg4[%add3A_4, %dma_wait3A_23] : memref<8192x256xf32, #tpu.memory_space<hbm>> -> memref<128x256xf32, #tpu.memory_space<hbm>>
      tpu.wait_dma2 semaphore(%run_scoped3A : memref<!tpu.dma_semaphore, #tpu.memory_space<semaphore_mem>>) src(%arg6 : memref<128x256xf32, #tpu.memory_space<vmem>>) dst(%dma_wait3A_24 : memref<128x256xf32, #tpu.memory_space<hbm>>)
      tpu.yield
    }) : () -> ()
    %add3A_9 = arith.constant 128 : i32
    %add3A_10 = arith.addi %mul3A_2, %add3A_9 : i32
    "tpu.region"() ({
      %run_scoped3A = tpu.sem_alloc : memref<!tpu.dma_semaphore, #tpu.memory_space<semaphore_mem>>
      %dma_start3A_17 = tpu.memref_slice %arg3[%add3A_10] : memref<8192xi32, #tpu.memory_space<hbm>> -> memref<128xi32, #tpu.memory_space<hbm>>
      %dma_start3A_18 = tpu.memref_slice %arg3[%add3A_10] : memref<8192xi32, #tpu.memory_space<hbm>> -> memref<128xi32, #tpu.memory_space<hbm>>
      tpu.enqueue_dma source(%dma_start3A_18 : memref<128xi32, #tpu.memory_space<hbm>>) target(%arg5 : memref<128xi32, #tpu.memory_space<vmem>>) target_semaphore(%run_scoped3A : memref<!tpu.dma_semaphore, #tpu.memory_space<semaphore_mem>>)
      %dma_wait3A_19 = tpu.memref_slice %arg3[%add3A_10] : memref<8192xi32, #tpu.memory_space<hbm>> -> memref<128xi32, #tpu.memory_space<hbm>>
      %dma_wait3A_20 = tpu.memref_slice %arg3[%add3A_10] : memref<8192xi32, #tpu.memory_space<hbm>> -> memref<128xi32, #tpu.memory_space<hbm>>
      tpu.wait_dma2 semaphore(%run_scoped3A : memref<!tpu.dma_semaphore, #tpu.memory_space<semaphore_mem>>) src(%dma_wait3A_20 : memref<128xi32, #tpu.memory_space<hbm>>) dst(%arg5 : memref<128xi32, #tpu.memory_space<vmem>>)
      tpu.yield
    }) : () -> ()
    %dma_start3A_11 = arith.constant 0 : i32
    %dma_start3A_12 = arith.constant 0 : i32
    %dma_start3A_13 = tpu.memref_slice %arg2[%dma_start3A_11, %dma_start3A_12] : memref<2048x256xf32, #tpu.memory_space<hbm>> -> memref<2048x256xf32, #tpu.memory_space<hbm>>
    tpu.enqueue_indirect_dma source(%dma_start3A_13 : memref<2048x256xf32, #tpu.memory_space<hbm>>) target(%arg6 : memref<128x256xf32, #tpu.memory_space<vmem>>) offsets(%arg5 : memref<128xi32, #tpu.memory_space<vmem>>) semaphore(%arg7 : memref<!tpu.dma_semaphore, #tpu.memory_space<semaphore_mem>>)
    %dma_wait3A_14 = arith.constant 0 : i32
    %dma_wait3A_15 = arith.constant 0 : i32
    %dma_wait3A_16 = tpu.memref_slice %arg2[%dma_wait3A_14, %dma_wait3A_15] : memref<2048x256xf32, #tpu.memory_space<hbm>> -> memref<2048x256xf32, #tpu.memory_space<hbm>>
    tpu.wait_indirect_dma semaphore(%arg7 : memref<!tpu.dma_semaphore, #tpu.memory_space<semaphore_mem>>) src(%dma_wait3A_16 : memref<2048x256xf32, #tpu.memory_space<hbm>>) dst(%arg6 : memref<128x256xf32, #tpu.memory_space<vmem>>)
    "tpu.region"() ({
      %run_scoped3A = tpu.sem_alloc : memref<!tpu.dma_semaphore, #tpu.memory_space<semaphore_mem>>
      %dma_start3A_17 = arith.constant 0 : i32
      %dma_start3A_18 = tpu.memref_slice %arg4[%add3A_10, %dma_start3A_17] : memref<8192x256xf32, #tpu.memory_space<hbm>> -> memref<128x256xf32, #tpu.memory_space<hbm>>
      %dma_start3A_19 = arith.constant 0 : i32
      %dma_start3A_20 = tpu.memref_slice %arg4[%add3A_10, %dma_start3A_19] : memref<8192x256xf32, #tpu.memory_space<hbm>> -> memref<128x256xf32, #tpu.memory_space<hbm>>
      tpu.enqueue_dma source(%arg6 : memref<128x256xf32, #tpu.memory_space<vmem>>) target(%dma_start3A_20 : memref<128x256xf32, #tpu.memory_space<hbm>>) target_semaphore(%run_scoped3A : memref<!tpu.dma_semaphore, #tpu.memory_space<semaphore_mem>>)
      %dma_wait3A_21 = arith.constant 0 : i32
      %dma_wait3A_22 = tpu.memref_slice %arg4[%add3A_10, %dma_wait3A_21] : memref<8192x256xf32, #tpu.memory_space<hbm>> -> memref<128x256xf32, #tpu.memory_space<hbm>>
      %dma_wait3A_23 = arith.constant 0 : i32
      %dma_wait3A_24 = tpu.memref_slice %arg4[%add3A_10, %dma_wait3A_23] : memref<8192x256xf32, #tpu.memory_space<hbm>> -> memref<128x256xf32, #tpu.memory_space<hbm>>
      tpu.wait_dma2 semaphore(%run_scoped3A : memref<!tpu.dma_semaphore, #tpu.memory_space<semaphore_mem>>) src(%arg6 : memref<128x256xf32, #tpu.memory_space<vmem>>) dst(%dma_wait3A_24 : memref<128x256xf32, #tpu.memory_space<hbm>>)
      tpu.yield
    }) : () -> ()
    return
  }
}

module attributes {stable_mosaic.version = 14 : i64} {
  func.func @_pack_kernel(%arg0: i32, %arg1: memref<2048x512xf32, #tpu.memory_space<vmem>>, %arg2: memref<2048x256xf32, #tpu.memory_space<vmem>>) attributes {dimension_semantics = [#tpu.dimension_semantics<arbitrary>], iteration_bounds = array<i64: 1>, scalar_prefetch = 0 : i64, scratch_operands = 0 : i64, tpu.core_type = #tpu.core_type<tc>, window_params = [{transform_indices = @transform_0, window_bounds = array<i64: 2048, 512>}, {transform_indices = @transform_1, window_bounds = array<i64: 2048, 256>}]} {
    %get3A = arith.constant 0 : index
    %get3A_0 = arith.constant 0 : index
    %get3A_1 = vector.load %arg1[%get3A, %get3A_0] : memref<2048x512xf32, #tpu.memory_space<vmem>>, vector<2048x512xf32>
    %slice3A = vector.extract_strided_slice %get3A_1 {offsets = [0, 0], sizes = [2048, 256], strides = [1, 1]} : vector<2048x512xf32> to vector<2048x256xf32>
    %bitcast_convert_type3A = tpu.bitcast %slice3A : vector<2048x256xf32> -> vector<2048x256xi32>
    %slice3A_2 = vector.extract_strided_slice %get3A_1 {offsets = [0, 256], sizes = [2048, 256], strides = [1, 1]} : vector<2048x512xf32> to vector<2048x256xf32>
    %bitcast_convert_type3A_3 = tpu.bitcast %slice3A_2 : vector<2048x256xf32> -> vector<2048x256xi32>
    %add3A = arith.constant 32768 : i32
    %add3A_4 = vector.broadcast %add3A : i32 to vector<2048x256xi32>
    %add3A_5 = arith.addi %bitcast_convert_type3A, %add3A_4 : vector<2048x256xi32>
    %shift_right_logical3A = arith.constant 16 : i32
    %shift_right_logical3A_6 = vector.broadcast %shift_right_logical3A : i32 to vector<2048x256xi32>
    %shift_right_logical3A_7 = arith.shrui %add3A_5, %shift_right_logical3A_6 : vector<2048x256xi32>
    %add3A_8 = arith.constant 32768 : i32
    %add3A_9 = vector.broadcast %add3A_8 : i32 to vector<2048x256xi32>
    %add3A_10 = arith.addi %bitcast_convert_type3A_3, %add3A_9 : vector<2048x256xi32>
    %and3A = arith.constant -65536 : i32
    %and3A_11 = vector.broadcast %and3A : i32 to vector<2048x256xi32>
    %and3A_12 = arith.andi %add3A_10, %and3A_11 : vector<2048x256xi32>
    %or3A = arith.ori %shift_right_logical3A_7, %and3A_12 : vector<2048x256xi32>
    %bitcast_convert_type3A_13 = tpu.bitcast %or3A : vector<2048x256xi32> -> vector<2048x256xf32>
    %swap3A = arith.constant 0 : index
    %swap3A_14 = arith.constant 0 : index
    %swap3A_15 = vector.load %arg2[%swap3A, %swap3A_14] : memref<2048x256xf32, #tpu.memory_space<vmem>>, vector<2048x256xf32>
    tpu.vector_store %arg2[%swap3A, %swap3A_14], %bitcast_convert_type3A_13 {strides = array<i32>} : memref<2048x256xf32, #tpu.memory_space<vmem>>, vector<2048x256xf32>,
    return
  }
  func.func @transform_0(%arg0: i32) -> (i32, i32) {
    %c0_i32 = arith.constant 0 : i32
    %c0_i32_0 = arith.constant 0 : i32
    return %arg0, %c0_i32 : i32, i32
  }
  func.func @transform_1(%arg0: i32) -> (i32, i32) {
    %c0_i32 = arith.constant 0 : i32
    %c0_i32_0 = arith.constant 0 : i32
    return %arg0, %c0_i32 : i32, i32
  }
}

module attributes {stable_mosaic.version = 14 : i64} {
  func.func @_mlp_kernel(%arg0: i32, %arg1: memref<1024x1024xf32, #tpu.memory_space<vmem>>, %arg2: memref<1024x256xf32, #tpu.memory_space<vmem>>, %arg3: memref<1024x1xbf16, #tpu.memory_space<vmem>>, %arg4: memref<1024x1xi32, #tpu.memory_space<vmem>>, %arg5: memref<1024x1024xbf16, #tpu.memory_space<vmem>>, %arg6: memref<1024x256xbf16, #tpu.memory_space<vmem>>, %arg7: memref<1024x256xbf16, #tpu.memory_space<vmem>>, %arg8: memref<1024x128xbf16, #tpu.memory_space<vmem>>, %arg9: memref<1x1024xf32, #tpu.memory_space<vmem>>, %arg10: memref<1x1024xf32, #tpu.memory_space<vmem>>, %arg11: memref<1x1xf32, #tpu.memory_space<vmem>>, %arg12: memref<1024x1xf32, #tpu.memory_space<vmem>>) attributes {dimension_semantics = [#tpu.dimension_semantics<arbitrary>], iteration_bounds = array<i64: 8>, scalar_prefetch = 0 : i64, scratch_operands = 0 : i64, tpu.core_type = #tpu.core_type<tc>, window_params = [{transform_indices = @transform_0, window_bounds = array<i64: 1024, 1024>}, {transform_indices = @transform_1, window_bounds = array<i64: 1024, 256>}, {transform_indices = @transform_2, window_bounds = array<i64: 1024, 1>}, {transform_indices = @transform_3, window_bounds = array<i64: 1024, 1>}, {transform_indices = @transform_4, window_bounds = array<i64: 1024, 1024>}, {transform_indices = @transform_5, window_bounds = array<i64: 1024, 256>}, {transform_indices = @transform_6, window_bounds = array<i64: 1024, 256>}, {transform_indices = @transform_7, window_bounds = array<i64: 1024, 128>}, {pipeline_mode = #tpu.pipeline_mode<synchronous>, transform_indices = @transform_8, window_bounds = array<i64: 1, 1024>}, {pipeline_mode = #tpu.pipeline_mode<synchronous>, transform_indices = @transform_9, window_bounds = array<i64: 1, 1024>}, {pipeline_mode = #tpu.pipeline_mode<synchronous>, transform_indices = @transform_10, window_bounds = array<i64: 1, 1>}, {transform_indices = @transform_11, window_bounds = array<i64: 1024, 1>}]} {
    %get3A = arith.constant 0 : index
    %get3A_0 = arith.constant 0 : index
    %get3A_1 = vector.load %arg1[%get3A, %get3A_0] : memref<1024x1024xf32, #tpu.memory_space<vmem>>, vector<1024x1024xf32>
    %convert_element_type3A = arith.truncf %get3A_1 : vector<1024x1024xf32> to vector<1024x1024xbf16>
    %get3A_2 = arith.constant 0 : index
    %get3A_3 = arith.constant 0 : index
    %get3A_4 = vector.load %arg5[%get3A_2, %get3A_3] : memref<1024x1024xbf16, #tpu.memory_space<vmem>>, vector<1024x1024xbf16>
    %dot_general3A = arith.constant dense<0.000000e+00> : vector<1024x1024xf32>
    %dot_general3A_5 = tpu.matmul %convert_element_type3A, %get3A_4, %dot_general3A {dimension_numbers = #tpu.dot_dimension_numbers<[1], [1], [0], [0], [0, 0, 1, 0], [], []>, transpose_lhs_hint = false} : vector<1024x1024xbf16>, vector<1024x1024xbf16>, vector<1024x1024xf32> -> vector<1024x1024xf32>
    %get3A_6 = arith.constant 0 : index
    %get3A_7 = arith.constant 0 : index
    %get3A_8 = vector.load %arg2[%get3A_6, %get3A_7] : memref<1024x256xf32, #tpu.memory_space<vmem>>, vector<1024x256xf32>
    %bitcast_convert_type3A = tpu.bitcast %get3A_8 : vector<1024x256xf32> -> vector<1024x256xi32>
    %shift_left3A = arith.constant 16 : i32
    %shift_left3A_9 = vector.broadcast %shift_left3A : i32 to vector<1024x256xi32>
    %shift_left3A_10 = arith.shli %bitcast_convert_type3A, %shift_left3A_9 : vector<1024x256xi32>
    %bitcast_convert_type3A_11 = tpu.bitcast %shift_left3A_10 : vector<1024x256xi32> -> vector<1024x256xf32>
    %convert_element_type3A_12 = arith.truncf %bitcast_convert_type3A_11 : vector<1024x256xf32> to vector<1024x256xbf16>
    %and3A = arith.constant -65536 : i32
    %and3A_13 = vector.broadcast %and3A : i32 to vector<1024x256xi32>
    %and3A_14 = arith.andi %bitcast_convert_type3A, %and3A_13 : vector<1024x256xi32>
    %bitcast_convert_type3A_15 = tpu.bitcast %and3A_14 : vector<1024x256xi32> -> vector<1024x256xf32>
    %convert_element_type3A_16 = arith.truncf %bitcast_convert_type3A_15 : vector<1024x256xf32> to vector<1024x256xbf16>
    %get3A_17 = arith.constant 0 : index
    %get3A_18 = arith.constant 0 : index
    %get3A_19 = vector.load %arg6[%get3A_17, %get3A_18] : memref<1024x256xbf16, #tpu.memory_space<vmem>>, vector<1024x256xbf16>
    %dot_general3A_20 = arith.constant dense<0.000000e+00> : vector<1024x1024xf32>
    %dot_general3A_21 = tpu.matmul %convert_element_type3A_12, %get3A_19, %dot_general3A_20 {dimension_numbers = #tpu.dot_dimension_numbers<[1], [1], [0], [0], [0, 0, 1, 0], [], []>, transpose_lhs_hint = false} : vector<1024x256xbf16>, vector<1024x256xbf16>, vector<1024x1024xf32> -> vector<1024x1024xf32>
    %add3A = arith.addf %dot_general3A_5, %dot_general3A_21 : vector<1024x1024xf32>
    %get3A_22 = arith.constant 0 : index
    %get3A_23 = arith.constant 0 : index
    %get3A_24 = vector.load %arg7[%get3A_22, %get3A_23] : memref<1024x256xbf16, #tpu.memory_space<vmem>>, vector<1024x256xbf16>
    %dot_general3A_25 = arith.constant dense<0.000000e+00> : vector<1024x1024xf32>
    %dot_general3A_26 = tpu.matmul %convert_element_type3A_16, %get3A_24, %dot_general3A_25 {dimension_numbers = #tpu.dot_dimension_numbers<[1], [1], [0], [0], [0, 0, 1, 0], [], []>, transpose_lhs_hint = false} : vector<1024x256xbf16>, vector<1024x256xbf16>, vector<1024x1024xf32> -> vector<1024x1024xf32>
    %add3A_27 = arith.addf %add3A, %dot_general3A_26 : vector<1024x1024xf32>
    %get3A_28 = arith.constant 0 : index
    %get3A_29 = arith.constant 0 : index
    %get3A_30 = vector.load %arg3[%get3A_28, %get3A_29] : memref<1024x1xbf16, #tpu.memory_space<vmem>>, vector<1024x1xbf16>
    %get3A_31 = arith.constant 0 : index
    %get3A_32 = arith.constant 0 : index
    %get3A_33 = vector.load %arg8[%get3A_31, %get3A_32] : memref<1024x128xbf16, #tpu.memory_space<vmem>>, vector<1024x1xbf16>
    %dot_general3A_34 = arith.constant dense<0.000000e+00> : vector<1024x1024xf32>
    %dot_general3A_35 = tpu.matmul %get3A_30, %get3A_33, %dot_general3A_34 {dimension_numbers = #tpu.dot_dimension_numbers<[1], [1], [0], [0], [0, 0, 1, 0], [], []>, transpose_lhs_hint = false} : vector<1024x1xbf16>, vector<1024x1xbf16>, vector<1024x1024xf32> -> vector<1024x1024xf32>
    %add3A_36 = arith.addf %add3A_27, %dot_general3A_35 : vector<1024x1024xf32>
    %get3A_37 = arith.constant 0 : index
    %get3A_38 = arith.constant 0 : index
    %get3A_39 = vector.load %arg9[%get3A_37, %get3A_38] : memref<1x1024xf32, #tpu.memory_space<vmem>>, vector<1x1024xf32>
    %add3A_40 = vector.broadcast %get3A_39 : vector<1x1024xf32> to vector<1024x1024xf32>
    %add3A_41 = arith.addf %add3A_36, %add3A_40 : vector<1024x1024xf32>
    %max3A = arith.constant 0.000000e+00 : f32
    %max3A_42 = vector.broadcast %max3A : f32 to vector<1024x1024xf32>
    %max3A_43 = arith.maximumf %add3A_41, %max3A_42 : vector<1024x1024xf32>
    %get3A_44 = arith.constant 0 : index
    %get3A_45 = arith.constant 0 : index
    %get3A_46 = vector.load %arg10[%get3A_44, %get3A_45] : memref<1x1024xf32, #tpu.memory_space<vmem>>, vector<1x1024xf32>
    %mul3A = vector.broadcast %get3A_46 : vector<1x1024xf32> to vector<1024x1024xf32>
    %mul3A_47 = arith.mulf %max3A_43, %mul3A : vector<1024x1024xf32>
    %reduce_sum3A = arith.constant dense<0.000000e+00> : vector<1024xf32>
    %reduce_sum3A_48 = vector.multi_reduction <add>, %mul3A_47, %reduce_sum3A [1] : vector<1024x1024xf32> to vector<1024xf32>
    %broadcast_in_dim3A = vector.shape_cast %reduce_sum3A_48 : vector<1024xf32> to vector<1024x1xf32>
    %get3A_49 = arith.constant 0 : index
    %get3A_50 = arith.constant 0 : index
    %get3A_51 = vector.load %arg11[%get3A_49, %get3A_50] : memref<1x1xf32, #tpu.memory_space<vmem>>, vector<1x1xf32>
    %get3A_52 = vector.extract %get3A_51[0, 0] : f32 from vector<1x1xf32>
    %add3A_53 = vector.broadcast %get3A_52 : f32 to vector<1024x1xf32>
    %add3A_54 = arith.addf %broadcast_in_dim3A, %add3A_53 : vector<1024x1xf32>
    %get3A_55 = arith.constant 0 : index
    %get3A_56 = arith.constant 0 : index
    %get3A_57 = vector.load %arg4[%get3A_55, %get3A_56] : memref<1024x1xi32, #tpu.memory_space<vmem>>, vector<1024x1xi32>
    %ge3A = arith.constant 0 : i32
    %ge3A_58 = vector.broadcast %ge3A : i32 to vector<1024x1xi32>
    %ge3A_59 = arith.cmpi sge, %get3A_57, %ge3A_58 : vector<1024x1xi32>
    %jit3A = arith.constant 0.000000e+00 : f32
    %broadcast_in_dim3A_60 = vector.broadcast %jit3A : f32 to vector<1024x1xf32>
    %select_n3A = arith.select %ge3A_59, %add3A_54, %broadcast_in_dim3A_60 : vector<1024x1xi1>, vector<1024x1xf32>
    %swap3A = arith.constant 0 : index
    %swap3A_61 = arith.constant 0 : index
    %swap3A_62 = vector.load %arg12[%swap3A, %swap3A_61] : memref<1024x1xf32, #tpu.memory_space<vmem>>, vector<1024x1xf32>
    tpu.vector_store %arg12[%swap3A, %swap3A_61], %select_n3A {strides = array<i32>} : memref<1024x1xf32, #tpu.memory_space<vmem>>, vector<1024x1xf32>,
    return
  }
  func.func @transform_0(%arg0: i32) -> (i32, i32) {
    %c0_i32 = arith.constant 0 : i32
    %c0_i32_0 = arith.constant 0 : i32
    return %arg0, %c0_i32 : i32, i32
  }
  func.func @transform_1(%arg0: i32) -> (i32, i32) {
    %c0_i32 = arith.constant 0 : i32
    %c0_i32_0 = arith.constant 0 : i32
    return %arg0, %c0_i32 : i32, i32
  }
  func.func @transform_2(%arg0: i32) -> (i32, i32) {
    %c0_i32 = arith.constant 0 : i32
    %c0_i32_0 = arith.constant 0 : i32
    return %arg0, %c0_i32 : i32, i32
  }
  func.func @transform_3(%arg0: i32) -> (i32, i32) {
    %c0_i32 = arith.constant 0 : i32
    %c0_i32_0 = arith.constant 0 : i32
    return %arg0, %c0_i32 : i32, i32
  }
  func.func @transform_4(%arg0: i32) -> (i32, i32) {
    %c0_i32 = arith.constant 0 : i32
    %c0_i32_0 = arith.constant 0 : i32
    %c0_i32_1 = arith.constant 0 : i32
    return %c0_i32, %c0_i32_0 : i32, i32
  }
  func.func @transform_5(%arg0: i32) -> (i32, i32) {
    %c0_i32 = arith.constant 0 : i32
    %c4_i32 = arith.constant 4 : i32
    %c0_i32_0 = arith.constant 0 : i32
    return %c0_i32, %c4_i32 : i32, i32
  }
  func.func @transform_6(%arg0: i32) -> (i32, i32) {
    %c0_i32 = arith.constant 0 : i32
    %c5_i32 = arith.constant 5 : i32
    %c0_i32_0 = arith.constant 0 : i32
    return %c0_i32, %c5_i32 : i32, i32
  }
  func.func @transform_7(%arg0: i32) -> (i32, i32) {
    %c0_i32 = arith.constant 0 : i32
    %c12_i32 = arith.constant 12 : i32
    %c0_i32_0 = arith.constant 0 : i32
    return %c0_i32, %c12_i32 : i32, i32
  }
  func.func @transform_8(%arg0: i32) -> (i32, i32) {
    %c0_i32 = arith.constant 0 : i32
    %c0_i32_0 = arith.constant 0 : i32
    %c0_i32_1 = arith.constant 0 : i32
    return %c0_i32, %c0_i32_0 : i32, i32
  }
  func.func @transform_9(%arg0: i32) -> (i32, i32) {
    %c0_i32 = arith.constant 0 : i32
    %c0_i32_0 = arith.constant 0 : i32
    %c0_i32_1 = arith.constant 0 : i32
    return %c0_i32, %c0_i32_0 : i32, i32
  }
  func.func @transform_10(%arg0: i32) -> (i32, i32) {
    %c0_i32 = arith.constant 0 : i32
    %c0_i32_0 = arith.constant 0 : i32
    %c0_i32_1 = arith.constant 0 : i32
    return %c0_i32, %c0_i32_0 : i32, i32
  }
  func.func @transform_11(%arg0: i32) -> (i32, i32) {
    %c0_i32 = arith.constant 0 : i32
    %c0_i32_0 = arith.constant 0 : i32
    return %arg0, %c0_i32 : i32, i32
  }
}

</mosaic_0001>

<sc_bundles>
// kernel: kernel.5.cloned.1.call-start
scs
__scs_entry_jumppad:
0x0: {  	(pc) =	sbr.rel $0x88, $3  }
0x1: {  	(tag) =	ssettag $0x0;
	lr =	simm.s32 $0x1  }
0x2: {  	[smem:$0x3F99] =	sst lr;
	_ =	strace $0xD0000000  }
0x3: {  	_ = 	snop  }
0x4: {  	_ = 	snop  }
0x5: {  	_ = 	snop  }
0x6: {  	_ = 	snop  }
0x7: {  	_ = 	snop  }
__scs_overlays_trampoline_lowered:
0x8: {  	[smem:$0x3FA8] =	sst s0  }
0x9: {  	[smem:$0x3FA9] =	sst s1  }
0xa: {  	[smem:$0x3FAA] =	sst s2  }
0xb: {  	[smem:$0x3FAB] =	sst s3  }
0xc: {  	[smem:$0x3FAC] =	sst s4  }
0xd: {  	[smem:$0x3FAD] =	sst s5  }
0xe: {  	[smem:$0x3FAE] =	sst s6  }
0xf: {  	[smem:$0x3FAF] =	sst s7  }
0x10: {  	[smem:$0x3FB0] =	sst s8  }
0x11: {  	[smem:$0x3FB1] =	sst s9;
	s0 =	simm.s32 @!p0 $0x0  }
0x12: {  	s1 =	sld [smem:$0x3F97];
	s0 =	simm.s32 @p0 $0x1  }
0x13: {  	[smem:$0x3FB2] =	sst s0;
	s0 =	simm.s32 @!p1 $0x0  }
0x14: {  	s2 =	sld [smem:$0x3F96];
	s0 =	simm.s32 @p1 $0x1  }
0x15: {  	[smem:$0x3FB3] =	sst s0;
	s0 =	simm.s32 @!p2 $0x0  }
0x16: {  	s3 =	sld [smem:$0x3FDB];
	s0 =	simm.s32 @p2 $0x1  }
0x17: {  	s4 =	simm.s32 $0x1BF5;
	[smem:$0x3FB5] =	sst s0  }
0x18: {  	s0 =	sld [smem:$0x3F98];
	_ =	swait.ge [sflag:s4], $0x0  }
0x19: {  	s7 =	sld [smem:$0x3F99]  }
0x1a: {  	s8 =	sadd.s32 $0xFFFFE003, lr  }
0x1b: {  	s9 =	sadd.s32 $0xFFFFFEF7, lr;
	s5 =	simm.s32 $0xFFFFFFFF;
	p2 =	slt.u32 s8, $0xFFFFF086  }
0x1c: {  	p1 =	slt.u32 s9, $0xF7A;
	s5 =	simm.s32 @!p2 $0x0  }
0x1d: {  	s5 =	simm.s32 @p1 $0x1;
	p0 =	seq.s32 s7, s2  }
0x1e: {  	s7 =	smul.u32 @!p0 $0xF7A, s2;
	p2 =	seq.s32 @!p0 s5, $0x0  }
0x1f: {  	s9 =	smul.u32 $0xF7A, s1;
	s8 =	simm.s32 @!p0 $0x1BF5;
	p2 =	por !p2, p0  }
0x20: {  	[sflag:s8] =	ssyncset.s32 @!p0 $0xFFFFF086;
	s6 =	sadd.s32 @!p0 s3, s7;
	s7 =	simm.s32 @!p0 $0x108  }
0x21: {  	s3 =	sadd.s32 s3, s9;
	s6 =	sadd.s32 @!p0 $0x88, s6;
	s7 =	simm.s32 @p2 $0x1082  }
0x22: {  	[simem:s7], [sflag:s8] =	dma.local @!p0 [hbm:s6], $0xF7A  }
0x23: {  	s9 =	sor.u32 $0xD0000000, s2;
	s6 =	simm.s32 $0x108;
	_ =	swait.ge @!p0 [sflag:s8], $0x0  }
0x24: {  	s3 =	sadd.s32 $0x88, s3;
	s6 =	simm.s32 @!p1 $0x1082;
	[sflag:s4] =	ssyncset.s32 $0xFFFFF086  }
0x25: {  	[simem:s6], [sflag:s4] =	dma.local [hbm:s3], $0xF7A  }
0x26: {  	[smem:$0x3F99] =	sst s1;
	(tag) =	ssettag s2;
	_ =	strace s9  }
0x27: {  	s1 =	sld [smem:$0x3FA9]  }
0x28: {  	s2 =	sld [smem:$0x3FAA]  }
0x29: {  	s4 =	sld [smem:$0x3FAC]  }
0x2a: {  	p0 =	seq.s32 s5, $0x0;
	s5 =	sld [smem:$0x3FAD]  }
0x2b: {  	s6 =	sld [smem:$0x3FAE]  }
0x2c: {  	s7 =	sld [smem:$0x3FAF]  }
0x2d: {  	s3 =	simm.s32 $0x108;
	s8 =	sld [smem:$0x3FB0]  }
0x2e: {  	s3 =	simm.s32 @!p0 $0x1082;
	s9 =	sld [smem:$0x3FB1]  }
0x2f: {  	lr =	sadd.s32 s0, s3;
	s0 =	sld [smem:$0x3FA8]  }
0x30: {  	s3 =	sld [smem:$0x3FAB]  }
0x31: {  	[smem:$0x3FB4] =	sst s10  }
0x32: {  	s10 =	sld [smem:$0x3FB2];
	_ =	sdelay $0x3  }
0x33: {  	p0 =	seq.s32 s10, $0x1;
	s10 =	sld [smem:$0x3FB4];
	_ =	sdelay $0x3  }
0x34: {  	[smem:$0x3FB4] =	sst s10  }
0x35: {  	s10 =	sld [smem:$0x3FB3];
	_ =	sdelay $0x3  }
0x36: {  	p1 =	seq.s32 s10, $0x1;
	s10 =	sld [smem:$0x3FB4];
	_ =	sdelay $0x3  }
0x37: {  	[smem:$0x3FB4] =	sst s10  }
0x38: {  	s10 =	sld [smem:$0x3FB5]  }
0x39: {  	_ = 	snop;
	(pc) =	sbr.ind lr, $3  }
0x3a: {  	_ = 	snop  }
0x3b: {  	_ = 	snop  }
0x3c: {  	p2 =	seq.s32 s10, $0x1;
	s10 =	sld [smem:$0x3FB4]  }
0x3d: {  	_ =	shalt  }
0x3e: {  	_ =	shalt  }
0x3f: {  	_ =	shalt  }
0x40: {  	_ =	shalt  }
0x41: {  	_ =	shalt  }
0x42: {  	_ =	shalt  }
0x43: {  	_ =	shalt  }
0x44: {  	_ =	shalt  }
0x45: {  	_ =	shalt  }
0x46: {  	_ =	shalt  }
0x47: {  	_ =	shalt  }
0x48: {  	_ =	shalt  }
0x49: {  	_ =	shalt  }
0x4a: {  	_ =	shalt  }
0x4b: {  	_ =	shalt  }
0x4c: {  	_ =	shalt  }
0x4d: {  	_ =	shalt  }
0x4e: {  	_ =	shalt  }
0x4f: {  	_ =	shalt  }
0x50: {  	_ =	shalt  }
0x51: {  	_ =	shalt  }
0x52: {  	_ =	shalt  }
0x53: {  	_ =	shalt  }
0x54: {  	_ =	shalt  }
0x55: {  	_ =	shalt  }
0x56: {  	_ =	shalt  }
0x57: {  	_ =	shalt  }
0x58: {  	_ =	shalt  }
0x59: {  	_ =	shalt  }
0x5a: {  	_ =	shalt  }
0x5b: {  	_ =	shalt  }
0x5c: {  	_ =	shalt  }
0x5d: {  	_ =	shalt  }
0x5e: {  	_ =	shalt  }
0x5f: {  	_ =	shalt  }
0x60: {  	_ =	shalt  }
0x61: {  	_ =	shalt  }
0x62: {  	_ =	shalt  }
0x63: {  	_ =	shalt  }
0x64: {  	_ =	shalt  }
0x65: {  	_ =	shalt  }
0x66: {  	_ =	shalt  }
0x67: {  	_ =	shalt  }
0x68: {  	_ =	shalt  }
0x69: {  	_ =	shalt  }
0x6a: {  	_ =	shalt  }
0x6b: {  	_ =	shalt  }
0x6c: {  	_ =	shalt  }
0x6d: {  	_ =	shalt  }
0x6e: {  	_ =	shalt  }
0x6f: {  	_ =	shalt  }
0x70: {  	_ =	shalt  }
0x71: {  	_ =	shalt  }
0x72: {  	_ =	shalt  }
0x73: {  	_ =	shalt  }
0x74: {  	_ =	shalt  }
0x75: {  	_ =	shalt  }
0x76: {  	_ =	shalt  }
0x77: {  	_ =	shalt  }
0x78: {  	_ =	shalt  }
0x79: {  	_ =	shalt  }
0x7a: {  	_ =	shalt  }
0x7b: {  	_ =	shalt  }
0x7c: {  	_ =	shalt  }
0x7d: {  	_ =	shalt  }
0x7e: {  	_ =	shalt  }
0x7f: {  	_ =	shalt  }
0x80: {  	_ =	shalt  }
0x81: {  	_ =	shalt  }
0x82: {  	_ =	shalt  }
0x83: {  	_ =	shalt  }
0x84: {  	_ =	shalt  }
0x85: {  	_ =	shalt  }
0x86: {  	_ =	shalt  }
0x87: {  	_ =	shalt  }
.Lfunc_end0:
.L_simem_size_0:
called_computation_lowered:
.L_overlay_start_0:
0x88: {  	s2 =	sld [smem:$0x3FD9]  }
0x89: {  	s3 =	sld [smem:$0x3FFE];
	_ =	sdelay $0x1  }
0x8a: {  	s1 =	srdreg.scid  }
0x8b: {  	s0 =	sand.u32 $0x1, s1  }
0x8c: {  	s17 =	sshll.u32 s0, $0xA;
	s2 =	sadd.s32 s3, s2  }
0x8d: {  	s2 =	sadd.s32 s2, s17  }
0x8e: {  	[smem:$0x3FC0] =	sst s2  }
0x8f: {  	_ = 	snop  }
0x90: {  	s2 =	sld [smem:$0x3FD0];
	(tm) =	ssettm $0x1  }
0x91: {  	s18 =	sld [smem:$0x3FFB];
	_ =	sdelay $0x3  }
0x92: {  	_ =	strace s18  }
0x93: {  	s3 =	sld [smem:$0x3FFC];
	_ =	sdelay $0x3  }
0x94: {  	_ =	strace s3  }
0x95: {  	s3 =	sld [smem:$0x3FFD];
	_ =	sdelay $0x3  }
0x96: {  	_ =	strace s3  }
0x97: {  	_ =	strace $0x8FFFFFFF  }
0x98: {  	s19 =	sld [smem:$0x3FDB];
	_ =	sdelay $0x1  }
0x99: {  	s4 =	simm.s32 $_scs_section_size  }
0x9a: {  	s5 =	simm.s32 $_size__tile_overlayer_lowered;
	s6 =	simm.s32 $_tile_overlayer_lowered  }
0x9b: {  	s22 =	simm.s32 $0x1BFF;
	s21 =	sshll.u32 s6, $0x1;
	s3 =	sadd.s32 s4, s19  }
0x9c: {  	s7 =	simm.s32 $0x0;
	s20 =	sshll.u32 s5, $0x1;
	s5 =	sadd.s32 s21, s3  }
0x9d: {  	[timem:s7], [sflag:s22] =	dma.local [hbm:s5], s20  }
0x9e: {  	_ =	swait.ge [sflag:s22], s20  }
0x9f: {  	s4 =	ssub.s32 $0x0, s20;
	[sflag:s22] =	ssyncset.done $0x0  }
0xa0: {  	[sflag:s22] =	ssyncadd.s32 s4;
	_ =	sdelay $0x1  }
0xa1: {  	s23 =	simm.s32 $0x1B8B  }
0xa2: {  	_ =	swait.ge [sflag:s23], $0x1  }
0xa3: {  	[sflag:s23] =	ssyncset.done $0x0  }
0xa4: {  	s25 =	simm.s32 $0x1B8E;
	s24 =	sld [smem:$0x3FFE];
	[sflag:s23] =	ssyncadd.s32 $0xFFFFFFFF  }
0xa5: {  	s26 =	simm.s32 $execute0_lowered;
	[smem:$0x3FD2] =	sst s25  }
0xa6: {  	s5 =	sshll.u32 s26, $0x1;
	_ =	strace $0x80000046;
	[dreg:$0x1] =	wrdreg $0xFFFFFFFF  }
0xa7: {  	s28 =	simm.s32 $_size_execute0_lowered;
	s3 =	sadd.s32 s3, s5;
	[dreg:$0x0] =	wrdreg $0x0  }
0xa8: {  	s5 =	sshll.u32 s28, $0x1;
	[dreg:$0x2] =	wrdreg s3  }
0xa9: {  	[dreg:$0x3] =	wrdreg s5  }
0xaa: {  	[dreg:$0x4] =	wrdreg $0xC0  }
0xab: {  	_ =	task [dreg:s7], $0x5FFFF  }
0xac: {  	[dreg:$0x1] =	wrdreg $0xFFFFFFFF  }
0xad: {  	[dreg:$0x0] =	wrdreg $0x60  }
0xae: {  	[dreg:$0x2] =	wrdreg s24  }
0xaf: {  	[dreg:$0x3] =	wrdreg s2  }
0xb0: {  	[dreg:$0x4] =	wrdreg $0x9  }
0xb1: {  	_ =	task.clear_ibuf [dreg:s7], $0x5FFFF;
	_ =	strace $0x90000046  }
0xb2: {  	s29 =	simm.s32 $0x9;
	_ =	strace $0x80000048  }
0xb3: {  	_ =	swait.ge [sflag:s29], $0x1  }
0xb4: {  	[sflag:s29] =	ssyncadd.s32 $0xFFFFFFFF  }
0xb5: {  	_ =	strace $0x90000048  }
0xb6: {  	_ =	sfence  }
0xb7: {  	s30 =	sld [smem:$0x0];
	_ =	sdelay $0x2  }
0xb8: {  	s31 =	sshll.u32 s1, $0xD;
	s1 =	sshrl.u32 s1, $0x2  }
0xb9: {  	s3 =	sand.u32 $0x4000, s31;
	s1 =	sadd.s32 s1, s30  }
0xba: {  	s0 =	sor.u32 s3, s0;
	s1 =	sshll.u32 s1, $0x11  }
0xbb: {  	s0 =	sor.u32 s1, s0  }
0xbc: {  	s0 =	sadd.s32 $0x8F2B, s0  }
0xbd: {  	[sflag:s0] =	ssyncadd.remote.s32 $0x1  }
0xbe: {  	_ =	sfence.sel $0xFFFF  }
0xbf: {  	[dreg:$0x0] =	wrdreg $0xFFFFFFFF;
	(pc) =	sbr.abs _section_cstart, $3  }
0xc0: {  	[dreg:$0x1] =	wrdreg $0xFFFFFFFF  }
0xc1: {  	_ =	task.clear_ibuf [dreg:s7], $0x2FFFF;
	_ =	strace $0x9FFFFFFF  }
0xc2: {  	(tm) =	ssettm $0x7FFFFFFF  }
0xc3: {  	_ =	shalt  }
tec
execute0_lowered:
.L_overlay_start_1:
0x0: {  	(tag) =	ssettag $0x1  }
0x1: {  	s4 =	rddreg [dreg:$0x0]  }
0x2: {  	s6 =	rddreg [dreg:$0x1]  }
0x3: {  	s0 =	rddreg [dreg:$0x2]  }
0x4: {  	s2 =	simm.s32 $0x0;
	s3 =	srdreg.scid;
	s1 =	stileid.u32  }
0x5: {  	s11 =	simm.s32 $0x880;
	s12 =	simm.s32 $0x1080;
	s13 =	simm.s32 $0x1880  }
0x6: {  	s14 =	simm.s32 $0x2080;
	s15 =	simm.s32 $0x2880;
	s16 =	simm.s32 $0x3080  }
0x7: {  	s17 =	simm.s32 $0x3880;
	s18 =	simm.s32 $0x4080;
	s19 =	simm.s32 $0x4880  }
0x8: {  	s20 =	simm.s32 $0x5080;
	s21 =	simm.s32 $0x5880;
	s22 =	simm.s32 $0x6080  }
0x9: {  	s23 =	simm.s32 $0x6880;
	s24 =	simm.s32 $0x7080;
	s25 =	simm.s32 $0x7880  }
0xa: {  	s26 =	simm.s32 $0x1;
	[smem:$0x7FF] =	sst s2;
	s3 =	sand.u32 $0x1, s3  }
0xb: {  	s7 =	sshll.u32 s1, $0x9;
	s29 =	sadd.s32 $0x11600, s4;
	s5 =	ssub.s32 $0x2, s3  }
0xc: {  	_ =	strace $0x80000047;
	s8 =	sshll.u32 s3, $0x8;
	s9 =	sshrl.u32 s5, $0x1  }
0xd: {  	s3 =	sadd.s32 $0x1600, s4;
	s7 =	sor.u32 s8, s7;
	s9 =	ssub.s32 s5, s9  }
0xe: {  	s30 =	sshrl.u32 s7, $0x3;
	s31 =	sshll.u32 s7, $0x5;
	s7 =	sor.u32 $0x80, s7  }
0xf: {  	v2 =	vlaneseq.u32;
	s4 =	sadd.s32 s6, s30;
	s5 =	sadd.s32 s29, s31;
	s10 =	sshrl.u32 s7, $0x3  }
0x10: {  	vm0 =	vmmov $0xffff;
	v1 =	vshrl.u32 v2, $0x3;
	s7 =	sshll.u32 s7, $0x5;
	s8 =	smax.u32 s9, $0x1;
	s9 =	simm.s32 $0x2  }
0x11: {  	v0 =	vand.u32 $0x7, v2;
	v2 =	vor.u32 $0x8, v2;
	v1 =	vmul.u32 $0x8, v1;
	s6 =	sadd.s32 s6, s10;
	s7 =	sadd.s32 s29, s7;
	s10 =	simm.s32 $0x80  }
.LBB2_1:
0x12: {  	[tilespmem:s2], [sflag:$0x2] =	stream.linear.gather [hbm4b:s4+s2], $0x80, $0x38;
	[tilespmem:$0x8080] =	vst v63  }
0x13: {  	_ =	swait.ge [sflag:s9], $0x80  }
0x14: {  	[sflag:s9] =	ssyncset.done $0x0  }
0x15: {  	[sflag:s9] =	ssyncadd.s32 $0xFFFFFF80  }
0x16: {  	v3 =	vld [tilespmem:$0x0];
	_ =	sdelay $0x4  }
0x17: {  	v4 =	vshll.u32 v3, $0x1  }
0x18: {  	v3 =	vand.u32 $0x7, v3;
	v4 =	vand.u32 $0xFFFFFFF0, v4  }
0x19: {  	v3 =	vor.u32 v3, v4  }
0x1a: {  	v4 =	vperm.xlane v3, v0;
	_ =	sdelay $0x1  }
0x1b: {  	v3 =	vperm.xlane v3, v2;
	v4 =	vadd.s32 v1, v4;
	_ =	sdelay $0x1  }
0x1c: {  	v3 =	vadd.s32 v1, v3;
	_ =	sdelay $0x2  }
0x1d: {  	[tilespmem:s10], [sflag:$0x1] =	stream.indirect_vreg.gather [hbm4b:s3+s2], $0x80, v4, vm0, $0xb8;
	[tilespmem:$0x8080] =	vst v63  }
0x1e: {  	_ = 	snop  }
0x1f: {  	[tilespmem:s11], [sflag:$0x1] =	stream.indirect_vreg.gather [hbm4b:s3+s2], $0x80, v3, vm0, $0xb8;
	[tilespmem:$0x8080] =	vst v63  }
0x20: {  	v3 =	vld [tilespmem:$0x10];
	_ =	sdelay $0x4  }
0x21: {  	v49 =	vshll.u32 v3, $0x1  }
0x22: {  	v3 =	vand.u32 $0x7, v3;
	v4 =	vand.u32 $0xFFFFFFF0, v49  }
0x23: {  	v3 =	vor.u32 v3, v4  }
0x24: {  	v4 =	vperm.xlane v3, v0;
	_ =	sdelay $0x1  }
0x25: {  	v3 =	vperm.xlane v3, v2;
	v4 =	vadd.s32 v1, v4;
	_ =	sdelay $0x1  }
0x26: {  	v3 =	vadd.s32 v1, v3;
	_ =	sdelay $0x2  }
0x27: {  	[tilespmem:s12], [sflag:$0x1] =	stream.indirect_vreg.gather [hbm4b:s3+s2], $0x80, v4, vm0, $0xb8;
	[tilespmem:$0x8080] =	vst v63  }
0x28: {  	_ = 	snop  }
0x29: {  	[tilespmem:s13], [sflag:$0x1] =	stream.indirect_vreg.gather [hbm4b:s3+s2], $0x80, v3, vm0, $0xb8;
	[tilespmem:$0x8080] =	vst v63  }
0x2a: {  	v3 =	vld [tilespmem:$0x20];
	_ =	sdelay $0x4  }
0x2b: {  	v50 =	vshll.u32 v3, $0x1  }
0x2c: {  	v3 =	vand.u32 $0x7, v3;
	v4 =	vand.u32 $0xFFFFFFF0, v50  }
0x2d: {  	v3 =	vor.u32 v3, v4  }
0x2e: {  	v4 =	vperm.xlane v3, v0;
	_ =	sdelay $0x1  }
0x2f: {  	v3 =	vperm.xlane v3, v2;
	v4 =	vadd.s32 v1, v4;
	_ =	sdelay $0x1  }
0x30: {  	v3 =	vadd.s32 v1, v3;
	_ =	sdelay $0x2  }
0x31: {  	[tilespmem:s14], [sflag:$0x1] =	stream.indirect_vreg.gather [hbm4b:s3+s2], $0x80, v4, vm0, $0xb8;
	[tilespmem:$0x8080] =	vst v63  }
0x32: {  	_ = 	snop  }
0x33: {  	[tilespmem:s15], [sflag:$0x1] =	stream.indirect_vreg.gather [hbm4b:s3+s2], $0x80, v3, vm0, $0xb8;
	[tilespmem:$0x8080] =	vst v63  }
0x34: {  	v3 =	vld [tilespmem:$0x30];
	_ =	sdelay $0x4  }
0x35: {  	v51 =	vshll.u32 v3, $0x1  }
0x36: {  	v3 =	vand.u32 $0x7, v3;
	v4 =	vand.u32 $0xFFFFFFF0, v51  }
0x37: {  	v3 =	vor.u32 v3, v4  }
0x38: {  	v4 =	vperm.xlane v3, v0;
	_ =	sdelay $0x1  }
0x39: {  	v3 =	vperm.xlane v3, v2;
	v4 =	vadd.s32 v1, v4;
	_ =	sdelay $0x1  }
0x3a: {  	v3 =	vadd.s32 v1, v3;
	_ =	sdelay $0x2  }
0x3b: {  	[tilespmem:s16], [sflag:$0x1] =	stream.indirect_vreg.gather [hbm4b:s3+s2], $0x80, v4, vm0, $0xb8;
	[tilespmem:$0x8080] =	vst v63  }
0x3c: {  	_ = 	snop  }
0x3d: {  	[tilespmem:s17], [sflag:$0x1] =	stream.indirect_vreg.gather [hbm4b:s3+s2], $0x80, v3, vm0, $0xb8;
	[tilespmem:$0x8080] =	vst v63  }
0x3e: {  	v3 =	vld [tilespmem:$0x40];
	_ =	sdelay $0x4  }
0x3f: {  	v52 =	vshll.u32 v3, $0x1  }
0x40: {  	v3 =	vand.u32 $0x7, v3;
	v4 =	vand.u32 $0xFFFFFFF0, v52  }
0x41: {  	v3 =	vor.u32 v3, v4  }
0x42: {  	v4 =	vperm.xlane v3, v0;
	_ =	sdelay $0x1  }
0x43: {  	v3 =	vperm.xlane v3, v2;
	v4 =	vadd.s32 v1, v4;
	_ =	sdelay $0x1  }
0x44: {  	v3 =	vadd.s32 v1, v3;
	_ =	sdelay $0x2  }
0x45: {  	[tilespmem:s18], [sflag:$0x1] =	stream.indirect_vreg.gather [hbm4b:s3+s2], $0x80, v4, vm0, $0xb8;
	[tilespmem:$0x8080] =	vst v63  }
0x46: {  	_ = 	snop  }
0x47: {  	[tilespmem:s19], [sflag:$0x1] =	stream.indirect_vreg.gather [hbm4b:s3+s2], $0x80, v3, vm0, $0xb8;
	[tilespmem:$0x8080] =	vst v63  }
0x48: {  	v3 =	vld [tilespmem:$0x50];
	_ =	sdelay $0x4  }
0x49: {  	v53 =	vshll.u32 v3, $0x1  }
0x4a: {  	v3 =	vand.u32 $0x7, v3;
	v4 =	vand.u32 $0xFFFFFFF0, v53  }
0x4b: {  	v3 =	vor.u32 v3, v4  }
0x4c: {  	v4 =	vperm.xlane v3, v0;
	_ =	sdelay $0x1  }
0x4d: {  	v3 =	vperm.xlane v3, v2;
	v4 =	vadd.s32 v1, v4;
	_ =	sdelay $0x1  }
0x4e: {  	v3 =	vadd.s32 v1, v3;
	_ =	sdelay $0x2  }
0x4f: {  	[tilespmem:s20], [sflag:$0x1] =	stream.indirect_vreg.gather [hbm4b:s3+s2], $0x80, v4, vm0, $0xb8;
	[tilespmem:$0x8080] =	vst v63  }
0x50: {  	_ = 	snop  }
0x51: {  	[tilespmem:s21], [sflag:$0x1] =	stream.indirect_vreg.gather [hbm4b:s3+s2], $0x80, v3, vm0, $0xb8;
	[tilespmem:$0x8080] =	vst v63  }
0x52: {  	v3 =	vld [tilespmem:$0x60];
	_ =	sdelay $0x4  }
0x53: {  	v54 =	vshll.u32 v3, $0x1  }
0x54: {  	v3 =	vand.u32 $0x7, v3;
	v4 =	vand.u32 $0xFFFFFFF0, v54  }
0x55: {  	v3 =	vor.u32 v3, v4  }
0x56: {  	v4 =	vperm.xlane v3, v0;
	_ =	sdelay $0x1  }
0x57: {  	v3 =	vperm.xlane v3, v2;
	v4 =	vadd.s32 v1, v4;
	_ =	sdelay $0x1  }
0x58: {  	v3 =	vadd.s32 v1, v3;
	_ =	sdelay $0x2  }
0x59: {  	[tilespmem:s22], [sflag:$0x1] =	stream.indirect_vreg.gather [hbm4b:s3+s2], $0x80, v4, vm0, $0xb8;
	[tilespmem:$0x8080] =	vst v63  }
0x5a: {  	_ = 	snop  }
0x5b: {  	[tilespmem:s23], [sflag:$0x1] =	stream.indirect_vreg.gather [hbm4b:s3+s2], $0x80, v3, vm0, $0xb8;
	[tilespmem:$0x8080] =	vst v63  }
0x5c: {  	v3 =	vld [tilespmem:$0x70];
	_ =	sdelay $0x4  }
0x5d: {  	v55 =	vshll.u32 v3, $0x1  }
0x5e: {  	v3 =	vand.u32 $0x7, v3;
	v4 =	vand.u32 $0xFFFFFFF0, v55  }
0x5f: {  	v3 =	vor.u32 v3, v4  }
0x60: {  	v4 =	vperm.xlane v3, v0;
	_ =	sdelay $0x1  }
0x61: {  	v3 =	vperm.xlane v3, v2;
	v4 =	vadd.s32 v1, v4;
	_ =	sdelay $0x1  }
0x62: {  	v3 =	vadd.s32 v1, v3;
	_ =	sdelay $0x2  }
0x63: {  	[tilespmem:s24], [sflag:$0x1] =	stream.indirect_vreg.gather [hbm4b:s3+s2], $0x80, v4, vm0, $0xb8;
	[tilespmem:$0x8080] =	vst v63  }
0x64: {  	_ = 	snop  }
0x65: {  	[tilespmem:s25], [sflag:$0x1] =	stream.indirect_vreg.gather [hbm4b:s3+s2], $0x80, v3, vm0, $0xb8;
	[tilespmem:$0x8080] =	vst v63  }
0x66: {  	_ =	swait.ge [sflag:s26], $0x8000  }
0x67: {  	[sflag:s26] =	ssyncset.done $0x0  }
0x68: {  	[sflag:s26] =	ssyncadd.s32 $0xFFFF8000  }
0x69: {  	[hbm4b:s5+s2] =	stream.linear.scatter [tilespmem:s10], [sflag:$0x2], $0x8000, $0x38;
	[tilespmem:$0x8080] =	vst v63  }
0x6a: {  	_ =	swait.ge [sflag:s9], $0x8000  }
0x6b: {  	[sflag:s9] =	ssyncset.done $0x0  }
0x6c: {  	[sflag:s9] =	ssyncadd.s32 $0xFFFF8000  }
0x6d: {  	[tilespmem:s2], [sflag:$0x2] =	stream.linear.gather [hbm4b:s6+s2], $0x80, $0x38;
	[tilespmem:$0x8080] =	vst v63  }
0x6e: {  	_ =	swait.ge [sflag:s9], $0x80  }
0x6f: {  	[sflag:s9] =	ssyncset.done $0x0  }
0x70: {  	[sflag:s9] =	ssyncadd.s32 $0xFFFFFF80  }
0x71: {  	v3 =	vld [tilespmem:$0x0];
	_ =	sdelay $0x4  }
0x72: {  	v56 =	vshll.u32 v3, $0x1  }
0x73: {  	v3 =	vand.u32 $0x7, v3;
	v4 =	vand.u32 $0xFFFFFFF0, v56  }
0x74: {  	v3 =	vor.u32 v3, v4  }
0x75: {  	v4 =	vperm.xlane v3, v0;
	_ =	sdelay $0x1  }
0x76: {  	v3 =	vperm.xlane v3, v2;
	v4 =	vadd.s32 v1, v4;
	_ =	sdelay $0x1  }
0x77: {  	v3 =	vadd.s32 v1, v3;
	_ =	sdelay $0x2  }
0x78: {  	[tilespmem:s10], [sflag:$0x1] =	stream.indirect_vreg.gather [hbm4b:s3+s2], $0x80, v4, vm0, $0xb8;
	[tilespmem:$0x8080] =	vst v63  }
0x79: {  	_ = 	snop  }
0x7a: {  	[tilespmem:s11], [sflag:$0x1] =	stream.indirect_vreg.gather [hbm4b:s3+s2], $0x80, v3, vm0, $0xb8;
	[tilespmem:$0x8080] =	vst v63  }
0x7b: {  	v3 =	vld [tilespmem:$0x10];
	_ =	sdelay $0x4  }
0x7c: {  	v57 =	vshll.u32 v3, $0x1  }
0x7d: {  	v3 =	vand.u32 $0x7, v3;
	v4 =	vand.u32 $0xFFFFFFF0, v57  }
0x7e: {  	v3 =	vor.u32 v3, v4  }
0x7f: {  	v4 =	vperm.xlane v3, v0;
	_ =	sdelay $0x1  }
0x80: {  	v3 =	vperm.xlane v3, v2;
	v4 =	vadd.s32 v1, v4;
	_ =	sdelay $0x1  }
0x81: {  	v3 =	vadd.s32 v1, v3;
	_ =	sdelay $0x2  }
0x82: {  	[tilespmem:s12], [sflag:$0x1] =	stream.indirect_vreg.gather [hbm4b:s3+s2], $0x80, v4, vm0, $0xb8;
	[tilespmem:$0x8080] =	vst v63  }
0x83: {  	_ = 	snop  }
0x84: {  	[tilespmem:s13], [sflag:$0x1] =	stream.indirect_vreg.gather [hbm4b:s3+s2], $0x80, v3, vm0, $0xb8;
	[tilespmem:$0x8080] =	vst v63  }
0x85: {  	v3 =	vld [tilespmem:$0x20];
	_ =	sdelay $0x4  }
0x86: {  	v58 =	vshll.u32 v3, $0x1  }
0x87: {  	v3 =	vand.u32 $0x7, v3;
	v4 =	vand.u32 $0xFFFFFFF0, v58  }
0x88: {  	v3 =	vor.u32 v3, v4  }
0x89: {  	v4 =	vperm.xlane v3, v0;
	_ =	sdelay $0x1  }
0x8a: {  	v3 =	vperm.xlane v3, v2;
	v4 =	vadd.s32 v1, v4;
	_ =	sdelay $0x1  }
0x8b: {  	v3 =	vadd.s32 v1, v3;
	_ =	sdelay $0x2  }
0x8c: {  	[tilespmem:s14], [sflag:$0x1] =	stream.indirect_vreg.gather [hbm4b:s3+s2], $0x80, v4, vm0, $0xb8;
	[tilespmem:$0x8080] =	vst v63  }
0x8d: {  	_ = 	snop  }
0x8e: {  	[tilespmem:s15], [sflag:$0x1] =	stream.indirect_vreg.gather [hbm4b:s3+s2], $0x80, v3, vm0, $0xb8;
	[tilespmem:$0x8080] =	vst v63  }
0x8f: {  	v3 =	vld [tilespmem:$0x30];
	_ =	sdelay $0x4  }
0x90: {  	v59 =	vshll.u32 v3, $0x1  }
0x91: {  	v3 =	vand.u32 $0x7, v3;
	v4 =	vand.u32 $0xFFFFFFF0, v59  }
0x92: {  	v3 =	vor.u32 v3, v4  }
0x93: {  	v4 =	vperm.xlane v3, v0;
	_ =	sdelay $0x1  }
0x94: {  	v3 =	vperm.xlane v3, v2;
	v4 =	vadd.s32 v1, v4;
	_ =	sdelay $0x1  }
0x95: {  	v3 =	vadd.s32 v1, v3;
	_ =	sdelay $0x2  }
0x96: {  	[tilespmem:s16], [sflag:$0x1] =	stream.indirect_vreg.gather [hbm4b:s3+s2], $0x80, v4, vm0, $0xb8;
	[tilespmem:$0x8080] =	vst v63  }
0x97: {  	_ = 	snop  }
0x98: {  	[tilespmem:s17], [sflag:$0x1] =	stream.indirect_vreg.gather [hbm4b:s3+s2], $0x80, v3, vm0, $0xb8;
	[tilespmem:$0x8080] =	vst v63  }
0x99: {  	v3 =	vld [tilespmem:$0x40];
	_ =	sdelay $0x4  }
0x9a: {  	v60 =	vshll.u32 v3, $0x1  }
0x9b: {  	v3 =	vand.u32 $0x7, v3;
	v4 =	vand.u32 $0xFFFFFFF0, v60  }
0x9c: {  	v3 =	vor.u32 v3, v4  }
0x9d: {  	v4 =	vperm.xlane v3, v0;
	_ =	sdelay $0x1  }
0x9e: {  	v3 =	vperm.xlane v3, v2;
	v4 =	vadd.s32 v1, v4;
	_ =	sdelay $0x1  }
0x9f: {  	v3 =	vadd.s32 v1, v3;
	_ =	sdelay $0x2  }
0xa0: {  	[tilespmem:s18], [sflag:$0x1] =	stream.indirect_vreg.gather [hbm4b:s3+s2], $0x80, v4, vm0, $0xb8;
	[tilespmem:$0x8080] =	vst v63  }
0xa1: {  	_ = 	snop  }
0xa2: {  	[tilespmem:s19], [sflag:$0x1] =	stream.indirect_vreg.gather [hbm4b:s3+s2], $0x80, v3, vm0, $0xb8;
	[tilespmem:$0x8080] =	vst v63  }
0xa3: {  	v3 =	vld [tilespmem:$0x50];
	_ =	sdelay $0x4  }
0xa4: {  	v61 =	vshll.u32 v3, $0x1  }
0xa5: {  	v3 =	vand.u32 $0x7, v3;
	v4 =	vand.u32 $0xFFFFFFF0, v61  }
0xa6: {  	v3 =	vor.u32 v3, v4  }
0xa7: {  	v4 =	vperm.xlane v3, v0;
	_ =	sdelay $0x1  }
0xa8: {  	v3 =	vperm.xlane v3, v2;
	v4 =	vadd.s32 v1, v4;
	_ =	sdelay $0x1  }
0xa9: {  	v3 =	vadd.s32 v1, v3;
	_ =	sdelay $0x2  }
0xaa: {  	[tilespmem:s20], [sflag:$0x1] =	stream.indirect_vreg.gather [hbm4b:s3+s2], $0x80, v4, vm0, $0xb8;
	[tilespmem:$0x8080] =	vst v63  }
0xab: {  	_ = 	snop  }
0xac: {  	[tilespmem:s21], [sflag:$0x1] =	stream.indirect_vreg.gather [hbm4b:s3+s2], $0x80, v3, vm0, $0xb8;
	[tilespmem:$0x8080] =	vst v63  }
0xad: {  	v3 =	vld [tilespmem:$0x60];
	_ =	sdelay $0x4  }
0xae: {  	v62 =	vshll.u32 v3, $0x1  }
0xaf: {  	v3 =	vand.u32 $0x7, v3;
	v4 =	vand.u32 $0xFFFFFFF0, v62  }
0xb0: {  	v3 =	vor.u32 v3, v4  }
0xb1: {  	v4 =	vperm.xlane v3, v0;
	_ =	sdelay $0x1  }
0xb2: {  	v3 =	vperm.xlane v3, v2;
	v4 =	vadd.s32 v1, v4;
	_ =	sdelay $0x1  }
0xb3: {  	v3 =	vadd.s32 v1, v3;
	_ =	sdelay $0x2  }
0xb4: {  	[tilespmem:s22], [sflag:$0x1] =	stream.indirect_vreg.gather [hbm4b:s3+s2], $0x80, v4, vm0, $0xb8;
	[tilespmem:$0x8080] =	vst v63  }
0xb5: {  	_ = 	snop  }
0xb6: {  	[tilespmem:s23], [sflag:$0x1] =	stream.indirect_vreg.gather [hbm4b:s3+s2], $0x80, v3, vm0, $0xb8;
	[tilespmem:$0x8080] =	vst v63  }
0xb7: {  	v3 =	vld [tilespmem:$0x70];
	_ =	sdelay $0x4  }
0xb8: {  	v63 =	vshll.u32 v3, $0x1  }
0xb9: {  	v3 =	vand.u32 $0x7, v3;
	v4 =	vand.u32 $0xFFFFFFF0, v63  }
0xba: {  	v3 =	vor.u32 v3, v4  }
0xbb: {  	v4 =	vperm.xlane v3, v0;
	_ =	sdelay $0x1  }
0xbc: {  	v3 =	vperm.xlane v3, v2;
	v4 =	vadd.s32 v1, v4;
	_ =	sdelay $0x1  }
0xbd: {  	v3 =	vadd.s32 v1, v3;
	_ =	sdelay $0x2  }
0xbe: {  	[tilespmem:s24], [sflag:$0x1] =	stream.indirect_vreg.gather [hbm4b:s3+s2], $0x80, v4, vm0, $0xb8;
	[tilespmem:$0x8080] =	vst v63  }
0xbf: {  	_ = 	snop  }
0xc0: {  	[tilespmem:s25], [sflag:$0x1] =	stream.indirect_vreg.gather [hbm4b:s3+s2], $0x80, v3, vm0, $0xb8;
	[tilespmem:$0x8080] =	vst v63  }
0xc1: {  	_ =	swait.ge [sflag:s26], $0x8000  }
0xc2: {  	p0 =	sne.s32 s8, $0x1;
	[sflag:s26] =	ssyncset.done $0x0  }
.Ltmp0:
0xc3: {  	[sflag:s26] =	ssyncadd.s32 $0xFFFF8000;
	(pc) =	sbr.rel @p0 .LBB2_1-.Ltmp0, $4  }
0xc4: {  	[hbm4b:s7+s2] =	stream.linear.scatter [tilespmem:s10], [sflag:$0x2], $0x8000, $0x38;
	[tilespmem:$0x8080] =	vst v63  }
0xc5: {  	_ =	swait.ge [sflag:s9], $0x8000  }
0xc6: {  	[sflag:s9] =	ssyncset.done $0x0  }
0xc7: {  	s8 =	sadd.s32 $0xFFFFFFFF, s8;
	[sflag:s9] =	ssyncadd.s32 $0xFFFF8000  }
0xc8: {  	_ =	sfence.sel $0x180000  }
0xc9: {  	[bflag:$0x0] =	sbarrier.arrive $0xFFFF  }
0xca: {  	p0 =	sne.s32 s1, $0x0;
	_ =	strace $0x90000047  }
0xcb: {  	s0 =	sadd.s32 @!p0 $0x100000, s0;
	[bflag:$0x2] =	sbarrier.arrive $0xFFFF  }
0xcc: {  	[sflag:s0] =	ssyncadd.tile.s32 @!p0 $0x1;
	_ =	shalt  }
.Lfunc_end2:
_tile_overlayer_lowered:
.L_overlay_start_2:
0xcd: {  	(tag) =	ssettag $0x2  }
0xce: {  	s0 =	rddreg [dreg:$0x0];
	s2 =	stileid.u32  }
0xcf: {  	s1 =	rddreg [dreg:$0x1];
	p0 =	sne.s32 s2, $0x0  }
0xd0: {  	s3 =	rddreg [dreg:$0x2];
	[bflag:$0x3] =	sbarrier.arrive $0xFFFF;
	s2 =	simm.s32 @!p0 $0x1C02  }
0xd1: {  	[timem:s3], [sflag:s2] =	dma.local @!p0 [hbm:s0], s1  }
0xd2: {  	s0 =	simm.s32 @!p0 $0x2  }
0xd3: {  	_ =	swait.ge @!p0 [sflag:s0], s1  }
0xd4: {  	s1 =	ssub.s32 @!p0 $0x0, s1;
	[sflag:s0] =	ssyncset.done @!p0 $0x0  }
0xd5: {  	[sflag:s0] =	ssyncadd.s32 @!p0 s1  }
0xd6: {  	[bflag:$0x3] =	sbarrier.arrive $0xFFFF  }
0xd7: {  	_ =	shalt  }

</sc_bundles>
